<compile_context>
chip_gen: v7x
topology: tpu7x:2x2x1
jax: 0.10.2.dev20260603
libtpu: 0.0.44.dev20260713+nightly
codegen_flags: <defaults>
</compile_context>

<pallas_src>
import functools

import jax
import jax.numpy as jnp
from jax import lax
from jax.experimental import pallas as pl
from jax.experimental.pallas import tpu as pltpu
from jax.experimental.pallas import tpu_sc as plsc

_PLACEHOLDER = 42
_B, _N, _D = 4, 8192, 1024
_R = _B * _N

_info = plsc.get_sparse_core_info()
_NC, _NS = _info.num_cores, _info.num_subcores
_NW = _NC * _NS
_RPW = _R // _NW
_CH = 32
_NBUF = 3
_ITERS = _RPW // _CH


def _matvec_body(s_ref, w_ref, b_ref, o_ref):
    o_ref[...] = (
        jnp.dot(s_ref[...], w_ref[...], preferred_element_type=jnp.float32)
        + b_ref[...]
    )


_P = 8


@functools.partial(
    pl.kernel,
    out_type=jax.ShapeDtypeStruct((_R, _D), jnp.float32),
    mesh=plsc.VectorSubcoreMesh(core_axis_name="c", subcore_axis_name="s"),
    compiler_params=pltpu.CompilerParams(needs_layout_passes=False),
    scratch_types=[
        pltpu.VMEM((_RPW,), jnp.int32),
        pltpu.VMEM((1, _D), jnp.float32),
    ]
    + [pltpu.SemaphoreType.DMA] * _P,
)
def _sc_body(tok_hbm, x_hbm, rep_hbm, out_hbm, tok_v, rep_v, *sems):
    wid = lax.axis_index("s") * _NC + lax.axis_index("c")
    base = wid * _RPW

    pltpu.sync_copy(tok_hbm.at[pl.ds(base, _RPW)], tok_v)
    pltpu.sync_copy(rep_hbm, rep_v)

    rows = _RPW // _P
    copies = [
        pltpu.make_async_copy(
            x_hbm.at[pl.ds(base + p * rows, rows)],
            out_hbm.at[pl.ds(base + p * rows, rows)],
            sems[p],
        )
        for p in range(_P)
    ]
    for c in copies:
        c.start()
    for c in copies:
        c.wait()

    iota = lax.iota(jnp.int32, 16)
    zeros = jnp.zeros((16,), jnp.int32)
    ones = jnp.full((16,), 1, jnp.int32)
    ph = jnp.full((16,), _PLACEHOLDER, jnp.int32)

    def _group(g, carry):
        tv = tok_v[pl.ds(g * 16, 16)]
        m = jnp.where(tv == ph, ones, zeros)
        cnt = jnp.sum(m)

        @pl.when(cnt > 0)
        def _scan_lanes():
            def _lane(l, c2):
                lb = lax.broadcast_in_dim(l, (16,), ())
                hit = jnp.sum(jnp.where(iota == lb, m, zeros))

                @pl.when(hit > 0)
                def _dma():
                    pltpu.sync_copy(
                        rep_v, out_hbm.at[pl.ds(base + g * 16 + l, 1)])

                return c2

            lax.fori_loop(0, 16, _lane, 0)

        return carry

    lax.fori_loop(0, _RPW // 16, _group, 0)


def kernel(tokenized_text, embedded_text, special_embeddings, W, b):
    B, N, D = embedded_text.shape
    R = B * N
    x = embedded_text.reshape(R, D)
    tok = tokenized_text.reshape(R).astype(jnp.int32)
    s = special_embeddings.reshape(1, D)
    bias = b.reshape(1, D)

    rep = pl.pallas_call(
        _matvec_body,
        out_shape=jax.ShapeDtypeStruct((1, D), jnp.float32),
    )(s, W, bias)

    out = _sc_body(tok, x, rep)
    return out.reshape(B, N, D)

# --- scband reference (transcript-rebuilt; emitter-appended) ---
"""Pipeline reference for scband-embedding-manager-68393059221805 (READ-ONLY COPY).

The authoritative reference and input builder live on the scoring server;
editing this copy changes nothing except your own understanding.
"""

import jax, jax.numpy as jnp
import numpy as np

PLACEHOLDER_TOKEN = 42
B, N, D = 4, 8192, 1024

def setup_inputs(seed: int = 0) -> dict:
    key = jax.random.key(seed)
    k1, k2, k3, k4, k5 = jax.random.split(key, 5)
    tokenized_text = jax.random.randint(k1, (B, N), 0, 1000)
    embedded_text = jax.random.normal(k2, (B, N, D), dtype=jnp.float32)
    special_embeddings = jax.random.normal(k3, (D,), dtype=jnp.float32)
    # learned params of the single placeholder module (nn.Linear(D, D))
    W = jax.random.normal(k4, (D, D), dtype=jnp.float32) * 0.02
    b = jax.random.normal(k5, (D,), dtype=jnp.float32) * 0.02
    return {"tokenized_text": tokenized_text, "embedded_text": embedded_text,
            "special_embeddings": special_embeddings, "W": W, "b": b}

def reference(tokenized_text, embedded_text, special_embeddings, W, b):
    # placeholder_module(special_embeddings): a linear projection producing the
    # replacement embedding vector for the placeholder token.
    replacement = special_embeddings @ W + b  # [D]
    # torch: placeholder_idx = torch.where(tokenized_text == token);
    #        embedded_text[placeholder_idx] = replacement  (broadcast overwrite)
    mask = (tokenized_text == PLACEHOLDER_TOKEN)  # [B, N]
    out = jnp.where(mask[..., None], replacement[None, None, :], embedded_text)
    return out

if __name__ == "__main__":
    import jax
    _d = setup_inputs()
    print(jax.jit(kernel)(*tuple(_d.values())))

</pallas_src>

<mosaic_0001>
#map = affine_map<(d0, d1) -> (0)>
#map1 = affine_map<(d0, d1) -> (0, 0)>
module attributes {stable_mosaic.version = 14 : i64} {
  func.func @_sc_body(%arg0: i32, %arg1: i32, %arg2: memref<32768xi32, #tpu.memory_space<hbm>>, %arg3: memref<32768x1024xf32, #tpu.memory_space<hbm>>, %arg4: memref<1x1024xf32, #tpu.memory_space<hbm>>, %arg5: memref<32768x1024xf32, #tpu.memory_space<hbm>>, %arg6: memref<1024xi32, #tpu.memory_space<vmem>>, %arg7: memref<1x1024xf32, #tpu.memory_space<vmem>>, %arg8: memref<!tpu.dma_semaphore, #tpu.memory_space<semaphore_mem>>, %arg9: memref<!tpu.dma_semaphore, #tpu.memory_space<semaphore_mem>>, %arg10: memref<!tpu.dma_semaphore, #tpu.memory_space<semaphore_mem>>, %arg11: memref<!tpu.dma_semaphore, #tpu.memory_space<semaphore_mem>>, %arg12: memref<!tpu.dma_semaphore, #tpu.memory_space<semaphore_mem>>, %arg13: memref<!tpu.dma_semaphore, #tpu.memory_space<semaphore_mem>>, %arg14: memref<!tpu.dma_semaphore, #tpu.memory_space<semaphore_mem>>, %arg15: memref<!tpu.dma_semaphore, #tpu.memory_space<semaphore_mem>>) attributes {dimension_semantics = [#tpu.dimension_semantics<core_parallel>, #tpu.dimension_semantics<subcore_parallel>], iteration_bounds = array<i64: 2, 16>, scalar_prefetch = 0 : i64, scratch_operands = 10 : i64, tpu.core_type = #tpu.core_type<sc_vector_subcore>, window_params = [{transform_indices = #map}, {transform_indices = #map1}, {transform_indices = #map1}, {transform_indices = #map1}]} {
    %mul3A = arith.constant 2 : i32
    %mul3A_0 = arith.muli %arg1, %mul3A : i32
    %add3A = arith.addi %mul3A_0, %arg0 : i32
    %mul3A_1 = arith.constant 1024 : i32
    %mul3A_2 = arith.muli %add3A, %mul3A_1 : i32
    "tpu.region"() ({
      %run_scoped3A = tpu.sem_alloc : memref<!tpu.dma_semaphore, #tpu.memory_space<semaphore_mem>>
      %dma_start3A_107 = tpu.memref_slice %arg2[%mul3A_2] : memref<32768xi32, #tpu.memory_space<hbm>> -> memref<1024xi32, #tpu.memory_space<hbm>>
      %dma_start3A_108 = tpu.memref_slice %arg2[%mul3A_2] : memref<32768xi32, #tpu.memory_space<hbm>> -> memref<1024xi32, #tpu.memory_space<hbm>>
      tpu.enqueue_dma source(%dma_start3A_108 : memref<1024xi32, #tpu.memory_space<hbm>>) target(%arg6 : memref<1024xi32, #tpu.memory_space<vmem>>) target_semaphore(%run_scoped3A : memref<!tpu.dma_semaphore, #tpu.memory_space<semaphore_mem>>)
      %dma_wait3A_109 = tpu.memref_slice %arg2[%mul3A_2] : memref<32768xi32, #tpu.memory_space<hbm>> -> memref<1024xi32, #tpu.memory_space<hbm>>
      %dma_wait3A_110 = tpu.memref_slice %arg2[%mul3A_2] : memref<32768xi32, #tpu.memory_space<hbm>> -> memref<1024xi32, #tpu.memory_space<hbm>>
      tpu.wait_dma2 semaphore(%run_scoped3A : memref<!tpu.dma_semaphore, #tpu.memory_space<semaphore_mem>>) src(%dma_wait3A_110 : memref<1024xi32, #tpu.memory_space<hbm>>) dst(%arg6 : memref<1024xi32, #tpu.memory_space<vmem>>)
      tpu.yield
    }) : () -> ()
    "tpu.region"() ({
      %run_scoped3A = tpu.sem_alloc : memref<!tpu.dma_semaphore, #tpu.memory_space<semaphore_mem>>
      tpu.enqueue_dma source(%arg4 : memref<1x1024xf32, #tpu.memory_space<hbm>>) target(%arg7 : memref<1x1024xf32, #tpu.memory_space<vmem>>) target_semaphore(%run_scoped3A : memref<!tpu.dma_semaphore, #tpu.memory_space<semaphore_mem>>)
      tpu.wait_dma2 semaphore(%run_scoped3A : memref<!tpu.dma_semaphore, #tpu.memory_space<semaphore_mem>>) src(%arg4 : memref<1x1024xf32, #tpu.memory_space<hbm>>) dst(%arg7 : memref<1x1024xf32, #tpu.memory_space<vmem>>)
      tpu.yield
    }) : () -> ()
    %add3A_3 = arith.constant 0 : i32
    %add3A_4 = arith.addi %mul3A_2, %add3A_3 : i32
    %add3A_5 = arith.constant 0 : i32
    %add3A_6 = arith.addi %mul3A_2, %add3A_5 : i32
    %add3A_7 = arith.constant 128 : i32
    %add3A_8 = arith.addi %mul3A_2, %add3A_7 : i32
    %add3A_9 = arith.constant 128 : i32
    %add3A_10 = arith.addi %mul3A_2, %add3A_9 : i32
    %add3A_11 = arith.constant 256 : i32
    %add3A_12 = arith.addi %mul3A_2, %add3A_11 : i32
    %add3A_13 = arith.constant 256 : i32
    %add3A_14 = arith.addi %mul3A_2, %add3A_13 : i32
    %add3A_15 = arith.constant 384 : i32
    %add3A_16 = arith.addi %mul3A_2, %add3A_15 : i32
    %add3A_17 = arith.constant 384 : i32
    %add3A_18 = arith.addi %mul3A_2, %add3A_17 : i32
    %add3A_19 = arith.constant 512 : i32
    %add3A_20 = arith.addi %mul3A_2, %add3A_19 : i32
    %add3A_21 = arith.constant 512 : i32
    %add3A_22 = arith.addi %mul3A_2, %add3A_21 : i32
    %add3A_23 = arith.constant 640 : i32
    %add3A_24 = arith.addi %mul3A_2, %add3A_23 : i32
    %add3A_25 = arith.constant 640 : i32
    %add3A_26 = arith.addi %mul3A_2, %add3A_25 : i32
    %add3A_27 = arith.constant 768 : i32
    %add3A_28 = arith.addi %mul3A_2, %add3A_27 : i32
    %add3A_29 = arith.constant 768 : i32
    %add3A_30 = arith.addi %mul3A_2, %add3A_29 : i32
    %add3A_31 = arith.constant 896 : i32
    %add3A_32 = arith.addi %mul3A_2, %add3A_31 : i32
    %add3A_33 = arith.constant 896 : i32
    %add3A_34 = arith.addi %mul3A_2, %add3A_33 : i32
    %dma_start3A = arith.constant 0 : i32
    %dma_start3A_35 = tpu.memref_slice %arg5[%add3A_6, %dma_start3A] : memref<32768x1024xf32, #tpu.memory_space<hbm>> -> memref<128x1024xf32, #tpu.memory_space<hbm>>
    %dma_start3A_36 = arith.constant 0 : i32
    %dma_start3A_37 = tpu.memref_slice %arg3[%add3A_4, %dma_start3A_36] : memref<32768x1024xf32, #tpu.memory_space<hbm>> -> memref<128x1024xf32, #tpu.memory_space<hbm>>
    tpu.enqueue_dma source(%dma_start3A_37 : memref<128x1024xf32, #tpu.memory_space<hbm>>) target(%dma_start3A_35 : memref<128x1024xf32, #tpu.memory_space<hbm>>) target_semaphore(%arg8 : memref<!tpu.dma_semaphore, #tpu.memory_space<semaphore_mem>>)
    %dma_start3A_38 = arith.constant 0 : i32
    %dma_start3A_39 = tpu.memref_slice %arg5[%add3A_10, %dma_start3A_38] : memref<32768x1024xf32, #tpu.memory_space<hbm>> -> memref<128x1024xf32, #tpu.memory_space<hbm>>
    %dma_start3A_40 = arith.constant 0 : i32
    %dma_start3A_41 = tpu.memref_slice %arg3[%add3A_8, %dma_start3A_40] : memref<32768x1024xf32, #tpu.memory_space<hbm>> -> memref<128x1024xf32, #tpu.memory_space<hbm>>
    tpu.enqueue_dma source(%dma_start3A_41 : memref<128x1024xf32, #tpu.memory_space<hbm>>) target(%dma_start3A_39 : memref<128x1024xf32, #tpu.memory_space<hbm>>) target_semaphore(%arg9 : memref<!tpu.dma_semaphore, #tpu.memory_space<semaphore_mem>>)
    %dma_start3A_42 = arith.constant 0 : i32
    %dma_start3A_43 = tpu.memref_slice %arg5[%add3A_14, %dma_start3A_42] : memref<32768x1024xf32, #tpu.memory_space<hbm>> -> memref<128x1024xf32, #tpu.memory_space<hbm>>
    %dma_start3A_44 = arith.constant 0 : i32
    %dma_start3A_45 = tpu.memref_slice %arg3[%add3A_12, %dma_start3A_44] : memref<32768x1024xf32, #tpu.memory_space<hbm>> -> memref<128x1024xf32, #tpu.memory_space<hbm>>
    tpu.enqueue_dma source(%dma_start3A_45 : memref<128x1024xf32, #tpu.memory_space<hbm>>) target(%dma_start3A_43 : memref<128x1024xf32, #tpu.memory_space<hbm>>) target_semaphore(%arg10 : memref<!tpu.dma_semaphore, #tpu.memory_space<semaphore_mem>>)
    %dma_start3A_46 = arith.constant 0 : i32
    %dma_start3A_47 = tpu.memref_slice %arg5[%add3A_18, %dma_start3A_46] : memref<32768x1024xf32, #tpu.memory_space<hbm>> -> memref<128x1024xf32, #tpu.memory_space<hbm>>
    %dma_start3A_48 = arith.constant 0 : i32
    %dma_start3A_49 = tpu.memref_slice %arg3[%add3A_16, %dma_start3A_48] : memref<32768x1024xf32, #tpu.memory_space<hbm>> -> memref<128x1024xf32, #tpu.memory_space<hbm>>
    tpu.enqueue_dma source(%dma_start3A_49 : memref<128x1024xf32, #tpu.memory_space<hbm>>) target(%dma_start3A_47 : memref<128x1024xf32, #tpu.memory_space<hbm>>) target_semaphore(%arg11 : memref<!tpu.dma_semaphore, #tpu.memory_space<semaphore_mem>>)
    %dma_start3A_50 = arith.constant 0 : i32
    %dma_start3A_51 = tpu.memref_slice %arg5[%add3A_22, %dma_start3A_50] : memref<32768x1024xf32, #tpu.memory_space<hbm>> -> memref<128x1024xf32, #tpu.memory_space<hbm>>
    %dma_start3A_52 = arith.constant 0 : i32
    %dma_start3A_53 = tpu.memref_slice %arg3[%add3A_20, %dma_start3A_52] : memref<32768x1024xf32, #tpu.memory_space<hbm>> -> memref<128x1024xf32, #tpu.memory_space<hbm>>
    tpu.enqueue_dma source(%dma_start3A_53 : memref<128x1024xf32, #tpu.memory_space<hbm>>) target(%dma_start3A_51 : memref<128x1024xf32, #tpu.memory_space<hbm>>) target_semaphore(%arg12 : memref<!tpu.dma_semaphore, #tpu.memory_space<semaphore_mem>>)
    %dma_start3A_54 = arith.constant 0 : i32
    %dma_start3A_55 = tpu.memref_slice %arg5[%add3A_26, %dma_start3A_54] : memref<32768x1024xf32, #tpu.memory_space<hbm>> -> memref<128x1024xf32, #tpu.memory_space<hbm>>
    %dma_start3A_56 = arith.constant 0 : i32
    %dma_start3A_57 = tpu.memref_slice %arg3[%add3A_24, %dma_start3A_56] : memref<32768x1024xf32, #tpu.memory_space<hbm>> -> memref<128x1024xf32, #tpu.memory_space<hbm>>
    tpu.enqueue_dma source(%dma_start3A_57 : memref<128x1024xf32, #tpu.memory_space<hbm>>) target(%dma_start3A_55 : memref<128x1024xf32, #tpu.memory_space<hbm>>) target_semaphore(%arg13 : memref<!tpu.dma_semaphore, #tpu.memory_space<semaphore_mem>>)
    %dma_start3A_58 = arith.constant 0 : i32
    %dma_start3A_59 = tpu.memref_slice %arg5[%add3A_30, %dma_start3A_58] : memref<32768x1024xf32, #tpu.memory_space<hbm>> -> memref<128x1024xf32, #tpu.memory_space<hbm>>
    %dma_start3A_60 = arith.constant 0 : i32
    %dma_start3A_61 = tpu.memref_slice %arg3[%add3A_28, %dma_start3A_60] : memref<32768x1024xf32, #tpu.memory_space<hbm>> -> memref<128x1024xf32, #tpu.memory_space<hbm>>
    tpu.enqueue_dma source(%dma_start3A_61 : memref<128x1024xf32, #tpu.memory_space<hbm>>) target(%dma_start3A_59 : memref<128x1024xf32, #tpu.memory_space<hbm>>) target_semaphore(%arg14 : memref<!tpu.dma_semaphore, #tpu.memory_space<semaphore_mem>>)
    %dma_start3A_62 = arith.constant 0 : i32
    %dma_start3A_63 = tpu.memref_slice %arg5[%add3A_34, %dma_start3A_62] : memref<32768x1024xf32, #tpu.memory_space<hbm>> -> memref<128x1024xf32, #tpu.memory_space<hbm>>
    %dma_start3A_64 = arith.constant 0 : i32
    %dma_start3A_65 = tpu.memref_slice %arg3[%add3A_32, %dma_start3A_64] : memref<32768x1024xf32, #tpu.memory_space<hbm>> -> memref<128x1024xf32, #tpu.memory_space<hbm>>
    tpu.enqueue_dma source(%dma_start3A_65 : memref<128x1024xf32, #tpu.memory_space<hbm>>) target(%dma_start3A_63 : memref<128x1024xf32, #tpu.memory_space<hbm>>) target_semaphore(%arg15 : memref<!tpu.dma_semaphore, #tpu.memory_space<semaphore_mem>>)
    %dma_wait3A = arith.constant 0 : i32
    %dma_wait3A_66 = tpu.memref_slice %arg5[%add3A_6, %dma_wait3A] : memref<32768x1024xf32, #tpu.memory_space<hbm>> -> memref<128x1024xf32, #tpu.memory_space<hbm>>
    %dma_wait3A_67 = arith.constant 0 : i32
    %dma_wait3A_68 = tpu.memref_slice %arg3[%add3A_4, %dma_wait3A_67] : memref<32768x1024xf32, #tpu.memory_space<hbm>> -> memref<128x1024xf32, #tpu.memory_space<hbm>>
    tpu.wait_dma2 semaphore(%arg8 : memref<!tpu.dma_semaphore, #tpu.memory_space<semaphore_mem>>) src(%dma_wait3A_68 : memref<128x1024xf32, #tpu.memory_space<hbm>>) dst(%dma_wait3A_66 : memref<128x1024xf32, #tpu.memory_space<hbm>>)
    %dma_wait3A_69 = arith.constant 0 : i32
    %dma_wait3A_70 = tpu.memref_slice %arg5[%add3A_10, %dma_wait3A_69] : memref<32768x1024xf32, #tpu.memory_space<hbm>> -> memref<128x1024xf32, #tpu.memory_space<hbm>>
    %dma_wait3A_71 = arith.constant 0 : i32
    %dma_wait3A_72 = tpu.memref_slice %arg3[%add3A_8, %dma_wait3A_71] : memref<32768x1024xf32, #tpu.memory_space<hbm>> -> memref<128x1024xf32, #tpu.memory_space<hbm>>
    tpu.wait_dma2 semaphore(%arg9 : memref<!tpu.dma_semaphore, #tpu.memory_space<semaphore_mem>>) src(%dma_wait3A_72 : memref<128x1024xf32, #tpu.memory_space<hbm>>) dst(%dma_wait3A_70 : memref<128x1024xf32, #tpu.memory_space<hbm>>)
    %dma_wait3A_73 = arith.constant 0 : i32
    %dma_wait3A_74 = tpu.memref_slice %arg5[%add3A_14, %dma_wait3A_73] : memref<32768x1024xf32, #tpu.memory_space<hbm>> -> memref<128x1024xf32, #tpu.memory_space<hbm>>
    %dma_wait3A_75 = arith.constant 0 : i32
    %dma_wait3A_76 = tpu.memref_slice %arg3[%add3A_12, %dma_wait3A_75] : memref<32768x1024xf32, #tpu.memory_space<hbm>> -> memref<128x1024xf32, #tpu.memory_space<hbm>>
    tpu.wait_dma2 semaphore(%arg10 : memref<!tpu.dma_semaphore, #tpu.memory_space<semaphore_mem>>) src(%dma_wait3A_76 : memref<128x1024xf32, #tpu.memory_space<hbm>>) dst(%dma_wait3A_74 : memref<128x1024xf32, #tpu.memory_space<hbm>>)
    %dma_wait3A_77 = arith.constant 0 : i32
    %dma_wait3A_78 = tpu.memref_slice %arg5[%add3A_18, %dma_wait3A_77] : memref<32768x1024xf32, #tpu.memory_space<hbm>> -> memref<128x1024xf32, #tpu.memory_space<hbm>>
    %dma_wait3A_79 = arith.constant 0 : i32
    %dma_wait3A_80 = tpu.memref_slice %arg3[%add3A_16, %dma_wait3A_79] : memref<32768x1024xf32, #tpu.memory_space<hbm>> -> memref<128x1024xf32, #tpu.memory_space<hbm>>
    tpu.wait_dma2 semaphore(%arg11 : memref<!tpu.dma_semaphore, #tpu.memory_space<semaphore_mem>>) src(%dma_wait3A_80 : memref<128x1024xf32, #tpu.memory_space<hbm>>) dst(%dma_wait3A_78 : memref<128x1024xf32, #tpu.memory_space<hbm>>)
    %dma_wait3A_81 = arith.constant 0 : i32
    %dma_wait3A_82 = tpu.memref_slice %arg5[%add3A_22, %dma_wait3A_81] : memref<32768x1024xf32, #tpu.memory_space<hbm>> -> memref<128x1024xf32, #tpu.memory_space<hbm>>
    %dma_wait3A_83 = arith.constant 0 : i32
    %dma_wait3A_84 = tpu.memref_slice %arg3[%add3A_20, %dma_wait3A_83] : memref<32768x1024xf32, #tpu.memory_space<hbm>> -> memref<128x1024xf32, #tpu.memory_space<hbm>>
    tpu.wait_dma2 semaphore(%arg12 : memref<!tpu.dma_semaphore, #tpu.memory_space<semaphore_mem>>) src(%dma_wait3A_84 : memref<128x1024xf32, #tpu.memory_space<hbm>>) dst(%dma_wait3A_82 : memref<128x1024xf32, #tpu.memory_space<hbm>>)
    %dma_wait3A_85 = arith.constant 0 : i32
    %dma_wait3A_86 = tpu.memref_slice %arg5[%add3A_26, %dma_wait3A_85] : memref<32768x1024xf32, #tpu.memory_space<hbm>> -> memref<128x1024xf32, #tpu.memory_space<hbm>>
    %dma_wait3A_87 = arith.constant 0 : i32
    %dma_wait3A_88 = tpu.memref_slice %arg3[%add3A_24, %dma_wait3A_87] : memref<32768x1024xf32, #tpu.memory_space<hbm>> -> memref<128x1024xf32, #tpu.memory_space<hbm>>
    tpu.wait_dma2 semaphore(%arg13 : memref<!tpu.dma_semaphore, #tpu.memory_space<semaphore_mem>>) src(%dma_wait3A_88 : memref<128x1024xf32, #tpu.memory_space<hbm>>) dst(%dma_wait3A_86 : memref<128x1024xf32, #tpu.memory_space<hbm>>)
    %dma_wait3A_89 = arith.constant 0 : i32
    %dma_wait3A_90 = tpu.memref_slice %arg5[%add3A_30, %dma_wait3A_89] : memref<32768x1024xf32, #tpu.memory_space<hbm>> -> memref<128x1024xf32, #tpu.memory_space<hbm>>
    %dma_wait3A_91 = arith.constant 0 : i32
    %dma_wait3A_92 = tpu.memref_slice %arg3[%add3A_28, %dma_wait3A_91] : memref<32768x1024xf32, #tpu.memory_space<hbm>> -> memref<128x1024xf32, #tpu.memory_space<hbm>>
    tpu.wait_dma2 semaphore(%arg14 : memref<!tpu.dma_semaphore, #tpu.memory_space<semaphore_mem>>) src(%dma_wait3A_92 : memref<128x1024xf32, #tpu.memory_space<hbm>>) dst(%dma_wait3A_90 : memref<128x1024xf32, #tpu.memory_space<hbm>>)
    %dma_wait3A_93 = arith.constant 0 : i32
    %dma_wait3A_94 = tpu.memref_slice %arg5[%add3A_34, %dma_wait3A_93] : memref<32768x1024xf32, #tpu.memory_space<hbm>> -> memref<128x1024xf32, #tpu.memory_space<hbm>>
    %dma_wait3A_95 = arith.constant 0 : i32
    %dma_wait3A_96 = tpu.memref_slice %arg3[%add3A_32, %dma_wait3A_95] : memref<32768x1024xf32, #tpu.memory_space<hbm>> -> memref<128x1024xf32, #tpu.memory_space<hbm>>
    tpu.wait_dma2 semaphore(%arg15 : memref<!tpu.dma_semaphore, #tpu.memory_space<semaphore_mem>>) src(%dma_wait3A_96 : memref<128x1024xf32, #tpu.memory_space<hbm>>) dst(%dma_wait3A_94 : memref<128x1024xf32, #tpu.memory_space<hbm>>)
    %iota3A = tpu.iota {dimensions = array<i32: 0>} : vector<16xi32>
    %broadcast_in_dim3A = arith.constant 0 : i32
    %broadcast_in_dim3A_97 = vector.broadcast %broadcast_in_dim3A : i32 to vector<16xi32>
    %broadcast_in_dim3A_98 = arith.constant 1 : i32
    %broadcast_in_dim3A_99 = vector.broadcast %broadcast_in_dim3A_98 : i32 to vector<16xi32>
    %broadcast_in_dim3A_100 = arith.constant 42 : i32
    %broadcast_in_dim3A_101 = vector.broadcast %broadcast_in_dim3A_100 : i32 to vector<16xi32>
    %scan3A = arith.constant 0 : i32
    %scan3A_102 = arith.constant 0 : i32
    %scan3A_103 = arith.constant 64 : i32
    %scan3A_104 = arith.addi %scan3A_102, %scan3A_103 : i32
    %scan3A_105 = arith.constant 1 : i32
    scf.for %scan3A_107 = %scan3A_102 to %scan3A_104 step %scan3A_105  : i32 {
      %mul3A_108 = arith.constant 16 : i32
      %mul3A_109 = arith.muli %scan3A_107, %mul3A_108 : i32
      %get3A = arith.index_cast %mul3A_109 : i32 to index
      %get3A_110 = tpu.vector_load %arg6[%get3A] {strides = array<i32>} : memref<1024xi32, #tpu.memory_space<vmem>>, vector<16xi32>,
      %eq3A = arith.cmpi eq, %get3A_110, %broadcast_in_dim3A_101 : vector<16xi32>
      %select_n3A = arith.select %eq3A, %broadcast_in_dim3A_99, %broadcast_in_dim3A_97 : vector<16xi1>, vector<16xi32>
      %reduce_sum3A = arith.constant true
      %reduce_sum3A_111 = vector.broadcast %reduce_sum3A : i1 to vector<16xi1>
      %reduce_sum3A_112 = tpu.scan <sum>, %select_n3A masked %reduce_sum3A_111 : vector<16xi32>, vector<16xi1> -> vector<16xi32>
      %reduce_sum3A_113 = vector.extract %reduce_sum3A_112[15] : i32 from vector<16xi32>
      %gt3A = arith.constant 0 : i32
      %gt3A_114 = arith.cmpi sgt, %reduce_sum3A_113, %gt3A : i32
      %convert_element_type3A = arith.extui %gt3A_114 : i1 to i32
      %cond3A = arith.constant 0 : i32
      %cond3A_115 = arith.cmpi ne, %convert_element_type3A, %cond3A : i32
      scf.if %cond3A_115 {
        %scan3A_116 = arith.constant 0 : i32
        %scan3A_117 = arith.constant 0 : i32
        %scan3A_118 = arith.constant 16 : i32
        %scan3A_119 = arith.addi %scan3A_117, %scan3A_118 : i32
        %scan3A_120 = arith.constant 1 : i32
        scf.for %scan3A_122 = %scan3A_117 to %scan3A_119 step %scan3A_120  : i32 {
          %broadcast_in_dim3A_123 = vector.broadcast %scan3A_122 : i32 to vector<16xi32>
          %eq3A_124 = arith.cmpi eq, %iota3A, %broadcast_in_dim3A_123 : vector<16xi32>
          %select_n3A_125 = arith.select %eq3A_124, %select_n3A, %broadcast_in_dim3A_97 : vector<16xi1>, vector<16xi32>
          %reduce_sum3A_126 = arith.constant true
          %reduce_sum3A_127 = vector.broadcast %reduce_sum3A_126 : i1 to vector<16xi1>
          %reduce_sum3A_128 = tpu.scan <sum>, %select_n3A_125 masked %reduce_sum3A_127 : vector<16xi32>, vector<16xi1> -> vector<16xi32>
          %reduce_sum3A_129 = vector.extract %reduce_sum3A_128[15] : i32 from vector<16xi32>
          %gt3A_130 = arith.constant 0 : i32
          %gt3A_131 = arith.cmpi sgt, %reduce_sum3A_129, %gt3A_130 : i32
          %convert_element_type3A_132 = arith.extui %gt3A_131 : i1 to i32
          %cond3A_133 = arith.constant 0 : i32
          %cond3A_134 = arith.cmpi ne, %convert_element_type3A_132, %cond3A_133 : i32
          scf.if %cond3A_134 {
            %mul3A_135 = arith.constant 16 : i32
            %mul3A_136 = arith.muli %scan3A_107, %mul3A_135 : i32
            %add3A_137 = arith.addi %mul3A_2, %mul3A_136 : i32
            %add3A_138 = arith.addi %add3A_137, %scan3A_122 : i32
            "tpu.region"() ({
              %run_scoped3A = tpu.sem_alloc : memref<!tpu.dma_semaphore, #tpu.memory_space<semaphore_mem>>
              %dma_start3A_139 = arith.constant 0 : i32
              %dma_start3A_140 = tpu.memref_slice %arg5[%add3A_138, %dma_start3A_139] : memref<32768x1024xf32, #tpu.memory_space<hbm>> -> memref<1x1024xf32, #tpu.memory_space<hbm>>
              %dma_start3A_141 = arith.constant 0 : i32
              %dma_start3A_142 = tpu.memref_slice %arg5[%add3A_138, %dma_start3A_141] : memref<32768x1024xf32, #tpu.memory_space<hbm>> -> memref<1x1024xf32, #tpu.memory_space<hbm>>
              tpu.enqueue_dma source(%arg7 : memref<1x1024xf32, #tpu.memory_space<vmem>>) target(%dma_start3A_142 : memref<1x1024xf32, #tpu.memory_space<hbm>>) target_semaphore(%run_scoped3A : memref<!tpu.dma_semaphore, #tpu.memory_space<semaphore_mem>>)
              %dma_wait3A_143 = arith.constant 0 : i32
              %dma_wait3A_144 = tpu.memref_slice %arg5[%add3A_138, %dma_wait3A_143] : memref<32768x1024xf32, #tpu.memory_space<hbm>> -> memref<1x1024xf32, #tpu.memory_space<hbm>>
              %dma_wait3A_145 = arith.constant 0 : i32
              %dma_wait3A_146 = tpu.memref_slice %arg5[%add3A_138, %dma_wait3A_145] : memref<32768x1024xf32, #tpu.memory_space<hbm>> -> memref<1x1024xf32, #tpu.memory_space<hbm>>
              tpu.wait_dma2 semaphore(%run_scoped3A : memref<!tpu.dma_semaphore, #tpu.memory_space<semaphore_mem>>) src(%arg7 : memref<1x1024xf32, #tpu.memory_space<vmem>>) dst(%dma_wait3A_146 : memref<1x1024xf32, #tpu.memory_space<hbm>>)
              tpu.yield
            }) : () -> ()
          } else {
          }
        }
        %scan3A_121 = arith.constant 16 : i32
      } else {
      }
    }
    %scan3A_106 = arith.constant 64 : i32
    return
  }
}

module attributes {stable_mosaic.version = 14 : i64} {
  func.func @_matvec_body(%arg0: memref<1x1024xf32, #tpu.memory_space<vmem>>, %arg1: memref<1024x1024xf32, #tpu.memory_space<vmem>>, %arg2: memref<1x1024xf32, #tpu.memory_space<vmem>>, %arg3: memref<1x1024xf32, #tpu.memory_space<vmem>>) attributes {dimension_semantics = [], scalar_prefetch = 0 : i64, scratch_operands = 0 : i64, tpu.core_type = #tpu.core_type<tc>} {
    %get3A = arith.constant 0 : index
    %get3A_0 = arith.constant 0 : index
    %get3A_1 = vector.load %arg0[%get3A, %get3A_0] : memref<1x1024xf32, #tpu.memory_space<vmem>>, vector<1x1024xf32>
    %get3A_2 = arith.constant 0 : index
    %get3A_3 = arith.constant 0 : index
    %get3A_4 = vector.load %arg1[%get3A_2, %get3A_3] : memref<1024x1024xf32, #tpu.memory_space<vmem>>, vector<1024x1024xf32>
    %dot_general3A = arith.constant dense<0.000000e+00> : vector<1x1024xf32>
    %dot_general3A_5 = tpu.matmul %get3A_1, %get3A_4, %dot_general3A {dimension_numbers = #tpu.dot_dimension_numbers<[1], [0], [0], [1], [0, 0, 1, 1], [], []>, transpose_lhs_hint = false} : vector<1x1024xf32>, vector<1024x1024xf32>, vector<1x1024xf32> -> vector<1x1024xf32>
    %get3A_6 = arith.constant 0 : index
    %get3A_7 = arith.constant 0 : index
    %get3A_8 = vector.load %arg2[%get3A_6, %get3A_7] : memref<1x1024xf32, #tpu.memory_space<vmem>>, vector<1x1024xf32>
    %add3A = arith.addf %dot_general3A_5, %get3A_8 : vector<1x1024xf32>
    %swap3A = arith.constant 0 : index
    %swap3A_9 = arith.constant 0 : index
    %swap3A_10 = vector.load %arg3[%swap3A, %swap3A_9] : memref<1x1024xf32, #tpu.memory_space<vmem>>, vector<1x1024xf32>
    tpu.vector_store %arg3[%swap3A, %swap3A_9], %add3A {strides = array<i32>} : memref<1x1024xf32, #tpu.memory_space<vmem>>, vector<1x1024xf32>,
    return
  }
}

</mosaic_0001>

<sc_bundles>
// kernel: kernel.4.cloned.1.call-start
scs
__scs_entry_jumppad:
0x0: {  	(pc) =	sbr.rel $0x88, $3  }
0x1: {  	(tag) =	ssettag $0x0;
	lr =	simm.s32 $0x1  }
0x2: {  	[smem:$0x3F9C] =	sst lr;
	_ =	strace $0xD0000000  }
0x3: {  	_ = 	snop  }
0x4: {  	_ = 	snop  }
0x5: {  	_ = 	snop  }
0x6: {  	_ = 	snop  }
0x7: {  	_ = 	snop  }
__scs_overlays_trampoline_lowered:
0x8: {  	[smem:$0x3FAB] =	sst s0  }
0x9: {  	[smem:$0x3FAC] =	sst s1  }
0xa: {  	[smem:$0x3FAD] =	sst s2  }
0xb: {  	[smem:$0x3FAE] =	sst s3  }
0xc: {  	[smem:$0x3FAF] =	sst s4  }
0xd: {  	[smem:$0x3FB0] =	sst s5  }
0xe: {  	[smem:$0x3FB1] =	sst s6  }
0xf: {  	[smem:$0x3FB2] =	sst s7  }
0x10: {  	[smem:$0x3FB3] =	sst s8  }
0x11: {  	[smem:$0x3FB4] =	sst s9;
	s0 =	simm.s32 @!p0 $0x0  }
0x12: {  	s1 =	sld [smem:$0x3F9A];
	s0 =	simm.s32 @p0 $0x1  }
0x13: {  	[smem:$0x3FB5] =	sst s0;
	s0 =	simm.s32 @!p1 $0x0  }
0x14: {  	s2 =	sld [smem:$0x3F99];
	s0 =	simm.s32 @p1 $0x1  }
0x15: {  	[smem:$0x3FB6] =	sst s0;
	s0 =	simm.s32 @!p2 $0x0  }
0x16: {  	s3 =	sld [smem:$0x3FDB];
	s0 =	simm.s32 @p2 $0x1  }
0x17: {  	s4 =	simm.s32 $0x1BF5;
	[smem:$0x3FB8] =	sst s0  }
0x18: {  	s0 =	sld [smem:$0x3F9B];
	_ =	swait.ge [sflag:s4], $0x0  }
0x19: {  	s7 =	sld [smem:$0x3F9C]  }
0x1a: {  	s8 =	sadd.s32 $0xFFFFE003, lr  }
0x1b: {  	s9 =	sadd.s32 $0xFFFFFEF7, lr;
	s5 =	simm.s32 $0xFFFFFFFF;
	p2 =	slt.u32 s8, $0xFFFFF086  }
0x1c: {  	p1 =	slt.u32 s9, $0xF7A;
	s5 =	simm.s32 @!p2 $0x0  }
0x1d: {  	s5 =	simm.s32 @p1 $0x1;
	p0 =	seq.s32 s7, s2  }
0x1e: {  	s7 =	smul.u32 @!p0 $0xF7A, s2;
	p2 =	seq.s32 @!p0 s5, $0x0  }
0x1f: {  	s9 =	smul.u32 $0xF7A, s1;
	s8 =	simm.s32 @!p0 $0x1BF5;
	p2 =	por !p2, p0  }
0x20: {  	[sflag:s8] =	ssyncset.s32 @!p0 $0xFFFFF086;
	s6 =	sadd.s32 @!p0 s3, s7;
	s7 =	simm.s32 @!p0 $0x108  }
0x21: {  	s3 =	sadd.s32 s3, s9;
	s6 =	sadd.s32 @!p0 $0x88, s6;
	s7 =	simm.s32 @p2 $0x1082  }
0x22: {  	[simem:s7], [sflag:s8] =	dma.local @!p0 [hbm:s6], $0xF7A  }
0x23: {  	s9 =	sor.u32 $0xD0000000, s2;
	s6 =	simm.s32 $0x108;
	_ =	swait.ge @!p0 [sflag:s8], $0x0  }
0x24: {  	s3 =	sadd.s32 $0x88, s3;
	s6 =	simm.s32 @!p1 $0x1082;
	[sflag:s4] =	ssyncset.s32 $0xFFFFF086  }
0x25: {  	[simem:s6], [sflag:s4] =	dma.local [hbm:s3], $0xF7A  }
0x26: {  	[smem:$0x3F9C] =	sst s1;
	(tag) =	ssettag s2;
	_ =	strace s9  }
0x27: {  	s1 =	sld [smem:$0x3FAC]  }
0x28: {  	s2 =	sld [smem:$0x3FAD]  }
0x29: {  	s4 =	sld [smem:$0x3FAF]  }
0x2a: {  	p0 =	seq.s32 s5, $0x0;
	s5 =	sld [smem:$0x3FB0]  }
0x2b: {  	s6 =	sld [smem:$0x3FB1]  }
0x2c: {  	s7 =	sld [smem:$0x3FB2]  }
0x2d: {  	s3 =	simm.s32 $0x108;
	s8 =	sld [smem:$0x3FB3]  }
0x2e: {  	s3 =	simm.s32 @!p0 $0x1082;
	s9 =	sld [smem:$0x3FB4]  }
0x2f: {  	lr =	sadd.s32 s0, s3;
	s0 =	sld [smem:$0x3FAB]  }
0x30: {  	s3 =	sld [smem:$0x3FAE]  }
0x31: {  	[smem:$0x3FB7] =	sst s10  }
0x32: {  	s10 =	sld [smem:$0x3FB5];
	_ =	sdelay $0x3  }
0x33: {  	p0 =	seq.s32 s10, $0x1;
	s10 =	sld [smem:$0x3FB7];
	_ =	sdelay $0x3  }
0x34: {  	[smem:$0x3FB7] =	sst s10  }
0x35: {  	s10 =	sld [smem:$0x3FB6];
	_ =	sdelay $0x3  }
0x36: {  	p1 =	seq.s32 s10, $0x1;
	s10 =	sld [smem:$0x3FB7];
	_ =	sdelay $0x3  }
0x37: {  	[smem:$0x3FB7] =	sst s10  }
0x38: {  	s10 =	sld [smem:$0x3FB8]  }
0x39: {  	_ = 	snop;
	(pc) =	sbr.ind lr, $3  }
0x3a: {  	_ = 	snop  }
0x3b: {  	_ = 	snop  }
0x3c: {  	p2 =	seq.s32 s10, $0x1;
	s10 =	sld [smem:$0x3FB7]  }
0x3d: {  	_ =	shalt  }
0x3e: {  	_ =	shalt  }
0x3f: {  	_ =	shalt  }
0x40: {  	_ =	shalt  }
0x41: {  	_ =	shalt  }
0x42: {  	_ =	shalt  }
0x43: {  	_ =	shalt  }
0x44: {  	_ =	shalt  }
0x45: {  	_ =	shalt  }
0x46: {  	_ =	shalt  }
0x47: {  	_ =	shalt  }
0x48: {  	_ =	shalt  }
0x49: {  	_ =	shalt  }
0x4a: {  	_ =	shalt  }
0x4b: {  	_ =	shalt  }
0x4c: {  	_ =	shalt  }
0x4d: {  	_ =	shalt  }
0x4e: {  	_ =	shalt  }
0x4f: {  	_ =	shalt  }
0x50: {  	_ =	shalt  }
0x51: {  	_ =	shalt  }
0x52: {  	_ =	shalt  }
0x53: {  	_ =	shalt  }
0x54: {  	_ =	shalt  }
0x55: {  	_ =	shalt  }
0x56: {  	_ =	shalt  }
0x57: {  	_ =	shalt  }
0x58: {  	_ =	shalt  }
0x59: {  	_ =	shalt  }
0x5a: {  	_ =	shalt  }
0x5b: {  	_ =	shalt  }
0x5c: {  	_ =	shalt  }
0x5d: {  	_ =	shalt  }
0x5e: {  	_ =	shalt  }
0x5f: {  	_ =	shalt  }
0x60: {  	_ =	shalt  }
0x61: {  	_ =	shalt  }
0x62: {  	_ =	shalt  }
0x63: {  	_ =	shalt  }
0x64: {  	_ =	shalt  }
0x65: {  	_ =	shalt  }
0x66: {  	_ =	shalt  }
0x67: {  	_ =	shalt  }
0x68: {  	_ =	shalt  }
0x69: {  	_ =	shalt  }
0x6a: {  	_ =	shalt  }
0x6b: {  	_ =	shalt  }
0x6c: {  	_ =	shalt  }
0x6d: {  	_ =	shalt  }
0x6e: {  	_ =	shalt  }
0x6f: {  	_ =	shalt  }
0x70: {  	_ =	shalt  }
0x71: {  	_ =	shalt  }
0x72: {  	_ =	shalt  }
0x73: {  	_ =	shalt  }
0x74: {  	_ =	shalt  }
0x75: {  	_ =	shalt  }
0x76: {  	_ =	shalt  }
0x77: {  	_ =	shalt  }
0x78: {  	_ =	shalt  }
0x79: {  	_ =	shalt  }
0x7a: {  	_ =	shalt  }
0x7b: {  	_ =	shalt  }
0x7c: {  	_ =	shalt  }
0x7d: {  	_ =	shalt  }
0x7e: {  	_ =	shalt  }
0x7f: {  	_ =	shalt  }
0x80: {  	_ =	shalt  }
0x81: {  	_ =	shalt  }
0x82: {  	_ =	shalt  }
0x83: {  	_ =	shalt  }
0x84: {  	_ =	shalt  }
0x85: {  	_ =	shalt  }
0x86: {  	_ =	shalt  }
0x87: {  	_ =	shalt  }
.Lfunc_end0:
.L_simem_size_0:
called_computation_lowered:
.L_overlay_start_0:
0x88: {  	s2 =	sld [smem:$0x3FD9]  }
0x89: {  	s3 =	sld [smem:$0x3FFE];
	_ =	sdelay $0x1  }
0x8a: {  	s1 =	srdreg.scid  }
0x8b: {  	s0 =	sand.u32 $0x1, s1  }
0x8c: {  	s17 =	sshll.u32 s0, $0xA;
	s2 =	sadd.s32 s3, s2  }
0x8d: {  	s2 =	sadd.s32 s2, s17  }
0x8e: {  	[smem:$0x3FC3] =	sst s2  }
0x8f: {  	_ = 	snop  }
0x90: {  	s2 =	sld [smem:$0x3FC8]  }
0x91: {  	s18 =	sld [smem:$0x3FD0];
	(tm) =	ssettm $0x1  }
0x92: {  	s4 =	sld [smem:$0x3FFB];
	_ =	sdelay $0x3  }
0x93: {  	_ =	strace s4  }
0x94: {  	s4 =	sld [smem:$0x3FFC];
	_ =	sdelay $0x3  }
0x95: {  	_ =	strace s4  }
0x96: {  	s4 =	sld [smem:$0x3FFD];
	_ =	sdelay $0x3  }
0x97: {  	_ =	strace s4  }
0x98: {  	_ =	strace $0x8FFFFFFF  }
0x99: {  	s19 =	sld [smem:$0x3FDB];
	_ =	sdelay $0x1  }
0x9a: {  	s5 =	simm.s32 $_scs_section_size  }
0x9b: {  	s6 =	simm.s32 $_size__tile_overlayer_lowered;
	s7 =	simm.s32 $_tile_overlayer_lowered  }
0x9c: {  	s22 =	simm.s32 $0x1BFF;
	s21 =	sshll.u32 s7, $0x1;
	s4 =	sadd.s32 s5, s19  }
0x9d: {  	s8 =	simm.s32 $0x0;
	s20 =	sshll.u32 s6, $0x1;
	s6 =	sadd.s32 s21, s4  }
0x9e: {  	[timem:s8], [sflag:s22] =	dma.local [hbm:s6], s20  }
0x9f: {  	_ =	swait.ge [sflag:s22], s20  }
0xa0: {  	s5 =	ssub.s32 $0x0, s20;
	[sflag:s22] =	ssyncset.done $0x0  }
0xa1: {  	[sflag:s22] =	ssyncadd.s32 s5;
	_ =	sdelay $0x1  }
0xa2: {  	s23 =	simm.s32 $0x1B8B  }
0xa3: {  	_ =	swait.ge [sflag:s23], $0x1  }
0xa4: {  	[sflag:s23] =	ssyncset.done $0x0  }
0xa5: {  	s25 =	simm.s32 $0x1B8E;
	s24 =	sld [smem:$0x3FFE];
	[sflag:s23] =	ssyncadd.s32 $0xFFFFFFFF  }
0xa6: {  	s26 =	simm.s32 $execute0_lowered;
	[smem:$0x3FD2] =	sst s25  }
0xa7: {  	s6 =	sshll.u32 s26, $0x1;
	_ =	strace $0x80000046;
	[dreg:$0x1] =	wrdreg $0xFFFFFFFF  }
0xa8: {  	s28 =	simm.s32 $_size_execute0_lowered;
	s4 =	sadd.s32 s4, s6;
	[dreg:$0x0] =	wrdreg $0x0  }
0xa9: {  	s6 =	sshll.u32 s28, $0x1;
	[dreg:$0x2] =	wrdreg s4  }
0xaa: {  	[dreg:$0x3] =	wrdreg s6  }
0xab: {  	[dreg:$0x4] =	wrdreg $0xC0  }
0xac: {  	_ =	task [dreg:s8], $0x5FFFF  }
0xad: {  	[dreg:$0x1] =	wrdreg $0xFFFFFFFF  }
0xae: {  	[dreg:$0x0] =	wrdreg $0x60  }
0xaf: {  	[dreg:$0x2] =	wrdreg s24  }
0xb0: {  	[dreg:$0x3] =	wrdreg s2  }
0xb1: {  	[dreg:$0x4] =	wrdreg s18  }
0xb2: {  	[dreg:$0x5] =	wrdreg $0x9  }
0xb3: {  	_ =	task.clear_ibuf [dreg:s8], $0x6FFFF;
	_ =	strace $0x90000046  }
0xb4: {  	s29 =	simm.s32 $0x9;
	_ =	strace $0x80000048  }
0xb5: {  	_ =	swait.ge [sflag:s29], $0x1  }
0xb6: {  	[sflag:s29] =	ssyncadd.s32 $0xFFFFFFFF  }
0xb7: {  	_ =	strace $0x90000048  }
0xb8: {  	_ =	sfence  }
0xb9: {  	s30 =	sld [smem:$0x0];
	_ =	sdelay $0x2  }
0xba: {  	s31 =	sshll.u32 s1, $0xD;
	s1 =	sshrl.u32 s1, $0x2  }
0xbb: {  	s3 =	sand.u32 $0x4000, s31;
	s1 =	sadd.s32 s1, s30  }
0xbc: {  	s0 =	sor.u32 s3, s0;
	s1 =	sshll.u32 s1, $0x11  }
0xbd: {  	s0 =	sor.u32 s1, s0  }
0xbe: {  	s0 =	sadd.s32 $0x8F2B, s0  }
0xbf: {  	[sflag:s0] =	ssyncadd.remote.s32 $0x1  }
0xc0: {  	_ =	sfence.sel $0xFFFF  }
0xc1: {  	[dreg:$0x0] =	wrdreg $0xFFFFFFFF;
	(pc) =	sbr.abs _section_cstart, $3  }
0xc2: {  	[dreg:$0x1] =	wrdreg $0xFFFFFFFF  }
0xc3: {  	_ =	task.clear_ibuf [dreg:s8], $0x2FFFF;
	_ =	strace $0x9FFFFFFF  }
0xc4: {  	(tm) =	ssettm $0x7FFFFFFF  }
0xc5: {  	_ =	shalt  }
tec
execute0_lowered:
.L_overlay_start_1:
0x0: {  	(tag) =	ssettag $0x1  }
0x1: {  	s0 =	rddreg [dreg:$0x0];
	s1 =	srdreg.scid  }
0x2: {  	s3 =	rddreg [dreg:$0x1];
	s8 =	stileid.u32  }
0x3: {  	s2 =	rddreg [dreg:$0x2];
	s6 =	simm.s32 $0x0;
	s28 =	simm.s32 $0x2  }
0x4: {  	s29 =	simm.s32 $0x3;
	s30 =	simm.s32 $0x4;
	s31 =	simm.s32 $0x5  }
0x5: {  	s1 =	sand.u32 $0x1, s1;
	s4 =	sshll.u32 s8, $0xB;
	[smem:$0x7FF] =	sst s6  }
0x6: {  	s26 =	sshll.u32 s8, $0x12;
	s5 =	sshll.u32 s1, $0xA;
	s11 =	ssub.s32 $0x2, s1  }
0x7: {  	_ =	strace $0x80000047;
	s4 =	sor.u32 s5, s4;
	s7 =	sshrl.u32 s11, $0x1  }
0x8: {  	s1 =	sshll.u32 s1, $0x11;
	s5 =	sshrl.u32 s4, $0x3;
	s12 =	ssub.s32 s11, s7  }
0x9: {  	s4 =	sshll.u32 s4, $0x7;
	s5 =	sadd.s32 s5, s0;
	s0 =	sadd.s32 $0x1C00, s0  }
0xa: {  	s15 =	sadd.s32 s3, s4;
	s16 =	sor.u32 $0x4000, s4;
	s17 =	sadd.s32 s2, s4  }
0xb: {  	s19 =	sor.u32 $0x8000, s4;
	s21 =	sor.u32 $0xC000, s4;
	s23 =	sor.u32 $0x10000, s4  }
0xc: {  	s24 =	sor.u32 $0x14000, s4;
	s25 =	sor.u32 $0x18000, s4;
	[dreg:$0x4] =	wrdreg s0  }
0xd: {  	s4 =	sor.u32 $0x1C000, s4;
	s5 =	sadd.s32 $0xC00, s5;
	[dreg:$0x6] =	wrdreg s15  }
0xe: {  	[dreg:$0x7] =	wrdreg s17;
	s18 =	sadd.s32 s3, s16;
	s20 =	sadd.s32 s3, s19  }
0xf: {  	s6 =	sadd.s32 s2, s19;
	s22 =	sadd.s32 s3, s21;
	s13 =	sadd.s32 s2, s21  }
0x10: {  	s14 =	sadd.s32 s3, s23;
	s15 =	sadd.s32 s2, s23;
	[dreg:$0x5] =	wrdreg s5  }
0x11: {  	s17 =	sadd.s32 s2, s24;
	s19 =	sadd.s32 s2, s25;
	[dreg:$0x8] =	wrdreg s18  }
0x12: {  	s21 =	sadd.s32 s2, s4;
	s0 =	simm.s32 $0x7;
	[dreg:$0xa] =	wrdreg s20  }
.Ltmp0:
0x13: {  	s5 =	sadd.s32 s2, s16;
	[dreg:$0xb] =	wrdreg s6;
	(pc) =	sbr.rel .LBB2_1-.Ltmp0, $4  }
0x14: {  	[dreg:$0xc] =	wrdreg s22;
	s16 =	sadd.s32 s3, s24;
	s18 =	sadd.s32 s3, s25  }
0x15: {  	s20 =	sadd.s32 s3, s4;
	s22 =	smax.u32 s12, $0x1;
	s4 =	sor.u32 s1, s26  }
0x16: {  	s24 =	simm.s32 $0x9;
	s26 =	simm.s32 $0x1;
	s1 =	simm.s32 $0x6  }
0x17: {  	v0 =	vimm.s32 $0x0;
	v1 =	vlaneseq.u32;
	s25 =	simm.s32 $0x8;
	s3 =	simm.s32 $0x0;
	[dreg:$0x9] =	wrdreg s5  }
.LBB2_7:
0x18: {  	s3 =	sadd.s32 $0x1, s3  }
0x19: {  	p0 =	sne.s32 s3, s22  }
.Ltmp1:
0x1a: {  	_ = 	snop;
	(pc) =	sbr.rel @!p0 .LBB2_8-.Ltmp1, $1  }
0x1b: {  	_ =	sdelay $0x3  }
.LBB2_1:
0x1c: {  	s5 =	simm.s32 $0x0;
	s6 =	rddreg [dreg:$0x5]  }
0x1d: {  	[tilespmem:s5], [sflag:$0x9] =	stream.linear.gather [hbm4b:s6+s5], $0x400, $0x38;
	[tilespmem:$0x800] =	vst v63  }
0x1e: {  	_ =	swait.ge [sflag:s24], $0x400  }
0x1f: {  	[sflag:s24] =	ssyncset.done $0x0  }
0x20: {  	s7 =	simm.s32 $0x400;
	s9 =	rddreg [dreg:$0x4];
	[sflag:s24] =	ssyncadd.s32 $0xFFFFFC00  }
0x21: {  	[tilespmem:s7], [sflag:$0x9] =	stream.linear.gather [hbm4b:s9+s5], $0x400, $0x38;
	[tilespmem:$0x800] =	vst v63  }
0x22: {  	s10 =	stileid.u32;
	_ =	swait.ge [sflag:s24], $0x400  }
0x23: {  	s5 =	sshll.u32 s10, $0x6;
	[sflag:s24] =	ssyncset.done $0x0;
	s12 =	rddreg [dreg:$0x6]  }
0x24: {  	s11 =	sor.u32 $0x1C01, s5;
	s8 =	rddreg [dreg:$0x7];
	[sflag:s24] =	ssyncadd.s32 $0xFFFFFC00  }
0x25: {  	[hbm:s8], [sflag:s11] =	dma.local [hbm:s12], $0x4000  }
0x26: {  	s7 =	rddreg [dreg:$0x8]  }
0x27: {  	s23 =	sor.u32 $0x1C02, s5;
	s8 =	rddreg [dreg:$0x9]  }
0x28: {  	[hbm:s8], [sflag:s23] =	dma.local [hbm:s7], $0x4000  }
0x29: {  	s9 =	sor.u32 $0x1C03, s5;
	s10 =	sor.u32 $0x1C04, s5;
	s7 =	rddreg [dreg:$0xa]  }
0x2a: {  	s11 =	sor.u32 $0x1C05, s5;
	s12 =	sor.u32 $0x1C06, s5;
	s8 =	rddreg [dreg:$0xb]  }
0x2b: {  	[hbm:s8], [sflag:s9] =	dma.local [hbm:s7], $0x4000  }
0x2c: {  	s23 =	sor.u32 $0x1C07, s5;
	s5 =	sor.u32 $0x1C08, s5;
	s7 =	rddreg [dreg:$0xc]  }
0x2d: {  	[hbm:s13], [sflag:s10] =	dma.local [hbm:s7], $0x4000  }
0x2e: {  	[hbm:s15], [sflag:s11] =	dma.local [hbm:s14], $0x4000  }
0x2f: {  	[hbm:s17], [sflag:s12] =	dma.local [hbm:s16], $0x4000  }
0x30: {  	[hbm:s19], [sflag:s23] =	dma.local [hbm:s18], $0x4000  }
0x31: {  	[hbm:s21], [sflag:s5] =	dma.local [hbm:s20], $0x4000  }
0x32: {  	_ =	swait.ge [sflag:s26], $0x4000  }
0x33: {  	[sflag:s26] =	ssyncset.done $0x0  }
0x34: {  	[sflag:s26] =	ssyncadd.s32 $0xFFFFC000  }
0x35: {  	_ =	swait.ge [sflag:s28], $0x4000  }
0x36: {  	[sflag:s28] =	ssyncset.done $0x0  }
0x37: {  	[sflag:s28] =	ssyncadd.s32 $0xFFFFC000  }
0x38: {  	_ =	swait.ge [sflag:s29], $0x4000  }
0x39: {  	[sflag:s29] =	ssyncset.done $0x0  }
0x3a: {  	[sflag:s29] =	ssyncadd.s32 $0xFFFFC000  }
0x3b: {  	_ =	swait.ge [sflag:s30], $0x4000  }
0x3c: {  	[sflag:s30] =	ssyncset.done $0x0  }
0x3d: {  	[sflag:s30] =	ssyncadd.s32 $0xFFFFC000  }
0x3e: {  	_ =	swait.ge [sflag:s31], $0x4000  }
0x3f: {  	[sflag:s31] =	ssyncset.done $0x0  }
0x40: {  	[sflag:s31] =	ssyncadd.s32 $0xFFFFC000  }
0x41: {  	_ =	swait.ge [sflag:s1], $0x4000  }
0x42: {  	[sflag:s1] =	ssyncset.done $0x0  }
0x43: {  	[sflag:s1] =	ssyncadd.s32 $0xFFFFC000  }
0x44: {  	_ =	swait.ge [sflag:s0], $0x4000  }
.Ltmp2:
0x45: {  	[sflag:s0] =	ssyncset.done $0x0;
	(pc) =	sbr.rel .LBB2_2-.Ltmp2, $4  }
0x46: {  	[sflag:s0] =	ssyncadd.s32 $0xFFFFC000  }
0x47: {  	_ =	swait.ge [sflag:s25], $0x4000  }
0x48: {  	[sflag:s25] =	ssyncset.done $0x0  }
0x49: {  	s23 =	smov.u32 s4;
	s5 =	simm.s32 $0x0;
	[sflag:s25] =	ssyncadd.s32 $0xFFFFC000  }
.LBB2_6:
0x4a: {  	s5 =	sadd.s32 $0x1, s5  }
0x4b: {  	p0 =	sne.s32 s5, $0x40  }
.Ltmp3:
0x4c: {  	_ = 	snop;
	(pc) =	sbr.rel @!p0 .LBB2_7-.Ltmp3, $2  }
0x4d: {  	_ =	sdelay $0x2  }
0x4e: {  	s23 =	sadd.s32 $0x800, s23  }
.LBB2_2:
0x4f: {  	s6 =	sshll.u32 s5, $0x4  }
0x50: {  	v2 =	vld [tilespmem:s6+$0x0];
	_ =	sdelay $0x4  }
0x51: {  	vm0 =	veq.s32 v2, $0x2A  }
0x52: {  	v2 =	vsel vm0, $0x1, v0  }
0x53: {  	(xrf0) =	vadd.scan.msk.s32 $0xffff, v2;
	_ =	sdelay $0x5  }
0x54: {  	v3, _, _ =	vpop (xrf0)  }
0x55: {  	(v2sf) =	vpush v3, $0xF;
	_ =	sdelay $0xe  }
0x56: {  	s12 =	spop (v2sf)  }
0x57: {  	p0 =	slt.s32 s12, $0x1  }
.Ltmp4:
0x58: {  	_ = 	snop;
	(pc) =	sbr.rel @p0 .LBB2_6-.Ltmp4, $2  }
0x59: {  	_ =	sdelay $0x2  }
0x5a: {  	s6 =	simm.s32 $0x0  }
0x5b: {  	v3 =	vmov s6  }
0x5c: {  	vm0 =	veq.s32 v3, v1  }
0x5d: {  	s7 =	simm.s32 $0x1;
	v3 =	vnsel vm0, $0x0, v2  }
0x5e: {  	(xrf0) =	vadd.scan.msk.s32 $0xffff, v3;
	v3 =	vmov s7  }
0x5f: {  	vm12 =	veq.s32 v3, v1  }
0x60: {  	v3 =	vnsel vm12, $0x0, v2  }
0x61: {  	(xrf0) =	vadd.scan.msk.s32 $0xffff, v3;
	_ =	sdelay $0x3  }
0x62: {  	v4, _, _ =	vpop (xrf0)  }
0x63: {  	(v2sf) =	vpush v4, $0xF  }
0x64: {  	v3, _, _ =	vpop (xrf0)  }
0x65: {  	(v2sf) =	vpush v3, $0xF;
	_ =	sdelay $0x1  }
0x66: {  	s8 =	simm.s32 $0x2  }
0x67: {  	v3 =	vmov s8  }
0x68: {  	s9 =	simm.s32 $0x3;
	vm13 =	veq.s32 v3, v1  }
0x69: {  	v3 =	vmov s9;
	v62 =	vnsel vm13, $0x0, v2  }
0x6a: {  	vm14 =	veq.s32 v3, v1;
	(xrf0) =	vadd.scan.msk.s32 $0xffff, v62  }
0x6b: {  	v3 =	vnsel vm14, $0x0, v2  }
0x6c: {  	(xrf0) =	vadd.scan.msk.s32 $0xffff, v3;
	_ =	sdelay $0x3  }
0x6d: {  	v4, _, _ =	vpop (xrf0)  }
0x6e: {  	s10 =	spop (v2sf);
	(v2sf) =	vpush v4, $0xF  }
0x6f: {  	v63, _, _ =	vpop (xrf0);
	p0 =	slt.s32 s10, $0x1  }
0x70: {  	s6 =	sand.u32 @!p0 $0x70, s6;
	s12 =	spop (v2sf);
	(v2sf) =	vpush v63, $0xF  }
0x71: {  	s11 =	simm.s32 $0x4;
	s8 =	sand.u32 @!p0 $0xFFFFC00, s23;
	s6 =	sadd.s32 @!p0 s2, s6  }
0x72: {  	v3 =	vmov s11;
	s9 =	simm.s32 @!p0 $0x80;
	s6 =	sadd.s32 @!p0 s8, s6;
	s8 =	simm.s32 @!p0 $0x400  }
0x73: {  	vm15 =	veq.s32 v3, v1;
	[hbm4b:s6+s9] =	stream.strided.scatter @!p0 [tilespmem:s8], [sflag:$0x9], $0x400, s8, s9, $0x38;
	[tilespmem:$0x800] =	vst v63  }
0x74: {  	s7 =	sadd.s32 $0x80, s23;
	v3 =	vnsel vm15, $0x0, v2;
	p1 =	slt.s32 s12, $0x1;
	p0 =	por p0, p0  }
0x75: {  	(xrf0) =	vadd.scan.msk.s32 $0xffff, v3;
	s6 =	simm.s32 $0x10;
	s8 =	simm.s32 $0x5;
	s9 =	simm.s32 @!p0 $0x9  }
0x76: {  	s10 =	simm.s32 @!p1 $0x80;
	s11 =	sand.u32 @!p1 $0x70, s6;
	_ =	swait.ge @!p0 [sflag:s9], $0x400  }
.LBB2_4:
0x77: {  	s12 =	sand.u32 @!p1 $0xFFFFC00, s7;
	s11 =	sadd.s32 @!p1 s2, s11  }
0x78: {  	v3 =	vmov s8;
	[sflag:s9] =	ssyncset.done @!p0 $0x0;
	s8 =	sadd.s32 $0x1, s8;
	s11 =	sadd.s32 @!p1 s12, s11  }
0x79: {  	vm0 =	veq.s32 v3, v1;
	s12 =	simm.s32 @!p1 $0x400;
	[sflag:s9] =	ssyncadd.s32 @!p0 $0xFFFFFC00;
	p2 =	sne.s32 s8, $0x10  }
0x7a: {  	[hbm4b:s11+s10] =	stream.strided.scatter @!p1 [tilespmem:s12], [sflag:$0x9], $0x400, s12, s10, $0x38;
	[tilespmem:$0x800] =	vst v63  }
.Ltmp5:
0x7b: {  	v3 =	vnsel vm0, $0x0, v2;
	v4, _, _ =	vpop (xrf0);
	(pc) =	sbr.rel @p2 .LBB2_4-.Ltmp5, $4  }
0x7c: {  	s6 =	sadd.s32 $0x10, s6;
	p0 =	por p1, p1;
	(xrf0) =	vadd.scan.msk.s32 $0xffff, v3;
	(v2sf) =	vpush v4, $0xF  }
0x7d: {  	s7 =	sadd.s32 $0x80, s7;
	s9 =	spop (v2sf)  }
0x7e: {  	p1 =	slt.s32 s9, $0x1;
	s9 =	simm.s32 @!p0 $0x9  }
0x7f: {  	s11 =	sand.u32 @!p1 $0x70, s6;
	s10 =	simm.s32 @!p1 $0x80;
	_ =	swait.ge @!p0 [sflag:s9], $0x400  }
0x80: {  	_ =	sdelay $0x1  }
0x81: {  	v2, _, _ =	vpop (xrf0)  }
0x82: {  	s8 =	sand.u32 @!p1 $0xFFFFC00, s7;
	s11 =	sadd.s32 @!p1 s2, s11;
	[sflag:s9] =	ssyncset.done @!p0 $0x0;
	(v2sf) =	vpush v2, $0xF  }
0x83: {  	s8 =	sadd.s32 @!p1 s8, s11;
	s11 =	simm.s32 @!p1 $0x400;
	[sflag:s9] =	ssyncadd.s32 @!p0 $0xFFFFFC00  }
0x84: {  	[hbm4b:s8+s10] =	stream.strided.scatter @!p1 [tilespmem:s11], [sflag:$0x9], $0x400, s11, s10, $0x38;
	[tilespmem:$0x800] =	vst v63  }
0x85: {  	s6 =	sadd.s32 $0x10, s6;
	p0 =	por p1, p1;
	s10 =	spop (v2sf)  }
0x86: {  	s7 =	sadd.s32 $0x80, s7;
	s8 =	simm.s32 @!p0 $0x9;
	p1 =	slt.s32 s10, $0x1  }
0x87: {  	s9 =	sand.u32 @!p1 $0x70, s6;
	s10 =	simm.s32 @!p1 $0x80;
	_ =	swait.ge @!p0 [sflag:s8], $0x400  }
0x88: {  	s11 =	sand.u32 @!p1 $0xFFFFC00, s7;
	s9 =	sadd.s32 @!p1 s2, s9;
	[sflag:s8] =	ssyncset.done @!p0 $0x0  }
0x89: {  	s9 =	sadd.s32 @!p1 s11, s9;
	s11 =	simm.s32 @!p1 $0x400;
	[sflag:s8] =	ssyncadd.s32 @!p0 $0xFFFFFC00  }
0x8a: {  	[hbm4b:s9+s10] =	stream.strided.scatter @!p1 [tilespmem:s11], [sflag:$0x9], $0x400, s11, s10, $0x38;
	[tilespmem:$0x800] =	vst v63  }
0x8b: {  	s6 =	sadd.s32 $0x10, s6;
	p0 =	por p1, p1;
	s11 =	spop (v2sf)  }
0x8c: {  	s7 =	sadd.s32 $0x80, s7;
	s8 =	simm.s32 @!p0 $0x9;
	p1 =	slt.s32 s11, $0x1  }
0x8d: {  	_ =	swait.ge @!p0 [sflag:s8], $0x400;
	s9 =	sand.u32 @!p1 $0x70, s6;
	s10 =	simm.s32 @!p1 $0x80  }
0x8e: {  	s11 =	sand.u32 @!p1 $0xFFFFC00, s7;
	[sflag:s8] =	ssyncset.done @!p0 $0x0;
	s9 =	sadd.s32 @!p1 s2, s9  }
0x8f: {  	[sflag:s8] =	ssyncadd.s32 @!p0 $0xFFFFFC00;
	s9 =	sadd.s32 @!p1 s11, s9;
	s11 =	simm.s32 @!p1 $0x400  }
0x90: {  	[hbm4b:s9+s10] =	stream.strided.scatter @!p1 [tilespmem:s11], [sflag:$0x9], $0x400, s11, s10, $0x38;
	[tilespmem:$0x800] =	vst v63  }
0x91: {  	s6 =	sadd.s32 $0x10, s6;
	p0 =	por p1, p1;
	s12 =	spop (v2sf)  }
0x92: {  	s7 =	sadd.s32 $0x80, s7;
	s8 =	simm.s32 @!p0 $0x9;
	p1 =	slt.s32 s12, $0x1  }
0x93: {  	_ =	swait.ge @!p0 [sflag:s8], $0x400;
	s6 =	sand.u32 @!p1 $0x70, s6;
	s9 =	simm.s32 @!p1 $0x80  }
0x94: {  	s7 =	sand.u32 @!p1 $0xFFFFC00, s7;
	[sflag:s8] =	ssyncset.done @!p0 $0x0;
	s6 =	sadd.s32 @!p1 s2, s6  }
0x95: {  	[sflag:s8] =	ssyncadd.s32 @!p0 $0xFFFFFC00;
	s6 =	sadd.s32 @!p1 s7, s6;
	s7 =	simm.s32 @!p1 $0x400  }
0x96: {  	[hbm4b:s6+s9] =	stream.strided.scatter @!p1 [tilespmem:s7], [sflag:$0x9], $0x400, s7, s9, $0x38;
	[tilespmem:$0x800] =	vst v63  }
.Ltmp6:
0x97: {  	p0 =	por p1, p1;
	(pc) =	sbr.rel .LBB2_6-.Ltmp6, $4  }
0x98: {  	s6 =	simm.s32 @!p0 $0x9  }
0x99: {  	_ =	swait.ge @!p0 [sflag:s6], $0x400  }
0x9a: {  	[sflag:s6] =	ssyncset.done @!p0 $0x0  }
0x9b: {  	[sflag:s6] =	ssyncadd.s32 @!p0 $0xFFFFFC00  }
.LBB2_8:
0x9c: {  	_ =	sfence.sel $0x180000  }
0x9d: {  	[bflag:$0x0] =	sbarrier.arrive $0xFFFF  }
0x9e: {  	_ =	strace $0x90000047  }
0x9f: {  	s0 =	stileid.u32;
	[bflag:$0x2] =	sbarrier.arrive $0xFFFF  }
0xa0: {  	p0 =	sne.s32 s0, $0x0;
	s0 =	rddreg [dreg:$0x3]  }
0xa1: {  	s0 =	sadd.s32 @!p0 $0x100000, s0  }
0xa2: {  	[sflag:s0] =	ssyncadd.tile.s32 @!p0 $0x1;
	_ =	shalt  }
.Lfunc_end2:
_tile_overlayer_lowered:
.L_overlay_start_2:
0xa3: {  	(tag) =	ssettag $0x2  }
0xa4: {  	s0 =	rddreg [dreg:$0x0];
	s2 =	stileid.u32  }
0xa5: {  	s1 =	rddreg [dreg:$0x1];
	p0 =	sne.s32 s2, $0x0  }
0xa6: {  	s3 =	rddreg [dreg:$0x2];
	[bflag:$0x3] =	sbarrier.arrive $0xFFFF;
	s2 =	simm.s32 @!p0 $0x1C09  }
0xa7: {  	[timem:s3], [sflag:s2] =	dma.local @!p0 [hbm:s0], s1  }
0xa8: {  	s0 =	simm.s32 @!p0 $0x9  }
0xa9: {  	_ =	swait.ge @!p0 [sflag:s0], s1  }
0xaa: {  	s1 =	ssub.s32 @!p0 $0x0, s1;
	[sflag:s0] =	ssyncset.done @!p0 $0x0  }
0xab: {  	[sflag:s0] =	ssyncadd.s32 @!p0 s1  }
0xac: {  	[bflag:$0x3] =	sbarrier.arrive $0xFFFF  }
0xad: {  	_ =	shalt  }

</sc_bundles>
